<compile_context>
chip_gen: v7x
topology: tpu7x:2x2x1
jax: 0.10.2.dev20260603
libtpu: 0.0.44.dev20260713+nightly
codegen_flags: <defaults>
</compile_context>

<pallas_src>
import numpy as np
import jax
import jax.numpy as jnp
from jax.experimental import pallas as pl
from jax.experimental.pallas import tpu as pltpu

_H = 35
_W = 35
_N = _H * _W
_B = 16
_CIN = 512
_CHID = 128
_COUT = 512
_R = _N * _B
_BLK = 2800
_HALO = 560
_NSTEP = _R // _BLK
_CQ = 128


def _stencil_coeffs():
    ii, jj = np.meshgrid(np.arange(_H), np.arange(_W), indexing="ij")
    deg = 1.0 + (jj > 0) + (jj < _W - 1) + (ii > 0) + (ii < _H - 1)
    u = deg ** -0.5
    c0 = u * u
    cL = np.where(jj > 0, u * np.roll(u, 1, axis=1), 0.0)
    cR = np.where(jj < _W - 1, u * np.roll(u, -1, axis=1), 0.0)
    cU = np.where(ii > 0, u * np.roll(u, 1, axis=0), 0.0)
    cD = np.where(ii < _H - 1, u * np.roll(u, -1, axis=0), 0.0)
    r = c0 + cL + cR + cU + cD
    coef = np.zeros((_R, 8), np.float32)
    for k, v in enumerate((c0, cL, cR, cU, cD)):
        coef[:, k] = np.repeat(v.reshape(-1), _B)
    return coef, r.reshape(_N, 1).astype(np.float32)


_COEF_NP, _RCOL_NP = _stencil_coeffs()


def _stage1_body(x_ref, xh1_ref, xh2_ref, xh3_ref, xh4_ref,
                 c_ref, ch1_ref, ch2_ref, ch3_ref, ch4_ref, w1_ref, z_ref):
    x = jnp.concatenate([xh1_ref[...], xh2_ref[...], x_ref[...],
                         xh3_ref[...], xh4_ref[...]], axis=0)
    c = jnp.concatenate([ch1_ref[...], ch2_ref[...], c_ref[...],
                         ch3_ref[...], ch4_ref[...]], axis=0)
    z = jax.lax.dot_general(x, w1_ref[...], (((1,), (0,)), ((), ())),
                            preferred_element_type=jnp.float32)

    def prop(t):
        return (c[:, 0:1] * t
                + c[:, 1:2] * pltpu.roll(t, _B, 0)
                + c[:, 2:3] * pltpu.roll(t, t.shape[0] - _B, 0)
                + c[:, 3:4] * pltpu.roll(t, _HALO, 0)
                + c[:, 4:5] * pltpu.roll(t, t.shape[0] - _HALO, 0))

    z2 = prop(prop(z))[2 * _HALO: 2 * _HALO + _BLK]
    z_ref[...] = z2.reshape(_BLK // _B, _B, _CHID)


def _stage2_body(z_ref, w2_ref, b1_ref, b2_ref, r_ref, o_ref):
    bvec = jax.lax.dot_general(b1_ref[...], w2_ref[...], (((1,), (0,)), ((), ())),
                               preferred_element_type=jnp.float32)
    bias = r_ref[...] * bvec + b2_ref[...]
    for b in range(_B):
        zb = z_ref[:, b, :]
        yb = jax.lax.dot_general(zb, w2_ref[...], (((1,), (0,)), ((), ())),
                                 preferred_element_type=jnp.float32)
        o_ref[b] = yb + bias


def _halo_specs(ncols):
    u = _BLK // _HALO
    return [
        pl.BlockSpec((_BLK, ncols), lambda i: (i, 0)),
        pl.BlockSpec((_HALO, ncols), lambda i: (jnp.maximum(i * u - 2, 0), 0)),
        pl.BlockSpec((_HALO, ncols), lambda i: (jnp.maximum(i * u - 1, 0), 0)),
        pl.BlockSpec((_HALO, ncols), lambda i: (jnp.minimum(i * u + u, _R // _HALO - 1), 0)),
        pl.BlockSpec((_HALO, ncols), lambda i: (jnp.minimum(i * u + u + 1, _R // _HALO - 1), 0)),
    ]


def kernel(inFeatures, W1, b1, W2, b2):
    xin = inFeatures.transpose(2, 3, 0, 1).reshape(_R, _CIN)
    z2 = pl.pallas_call(
        _stage1_body,
        grid=(_NSTEP,),
        in_specs=(
            _halo_specs(_CIN)
            + _halo_specs(8)
            + [pl.BlockSpec((_CIN, _CHID), lambda i: (0, 0))]
        ),
        out_specs=pl.BlockSpec((_BLK // _B, _B, _CHID), lambda i: (i, 0, 0)),
        out_shape=jax.ShapeDtypeStruct((_N, _B, _CHID), jnp.float32),
        compiler_params=pltpu.CompilerParams(dimension_semantics=("parallel",)),
    )(xin, xin, xin, xin, xin,
      jnp.asarray(_COEF_NP), jnp.asarray(_COEF_NP), jnp.asarray(_COEF_NP),
      jnp.asarray(_COEF_NP), jnp.asarray(_COEF_NP), W1)

    y = pl.pallas_call(
        _stage2_body,
        grid=(_COUT // _CQ,),
        in_specs=[
            pl.BlockSpec((_N, _B, _CHID), lambda j: (0, 0, 0)),
            pl.BlockSpec((_CHID, _CQ), lambda j: (0, j)),
            pl.BlockSpec((1, _CHID), lambda j: (0, 0)),
            pl.BlockSpec((1, _CQ), lambda j: (0, j)),
            pl.BlockSpec((_N, 1), lambda j: (0, 0)),
        ],
        out_specs=pl.BlockSpec((_B, _N, _CQ), lambda j: (0, 0, j)),
        out_shape=jax.ShapeDtypeStruct((_B, _N, _COUT), jnp.float32),
        compiler_params=pltpu.CompilerParams(dimension_semantics=("parallel",)),
    )(z2, W2, b1.reshape(1, _CHID), b2.reshape(1, _COUT), jnp.asarray(_RCOL_NP))

    return y.reshape(_B, _COUT, _H, _W)

# --- scband reference (transcript-rebuilt; emitter-appended) ---
"""Pipeline reference for scband-gcnet-41128606826822 (READ-ONLY COPY).

The authoritative reference and input builder live on the scoring server;
editing this copy changes nothing except your own understanding.
"""

import jax, jax.numpy as jnp
import numpy as np

H, W_GRID = 35, 35
N_NODES = H * W_GRID
C_IN = 512
C_HID = 128
C_OUT = 512
BATCH = 16


def _grid_edges(h, w):
    idx = np.arange(h * w).reshape(h, w)
    src_list, dst_list = [], []
    # horizontal neighbors
    src_list.append(idx[:, :-1].reshape(-1)); dst_list.append(idx[:, 1:].reshape(-1))
    src_list.append(idx[:, 1:].reshape(-1)); dst_list.append(idx[:, :-1].reshape(-1))
    # vertical neighbors
    src_list.append(idx[:-1, :].reshape(-1)); dst_list.append(idx[1:, :].reshape(-1))
    src_list.append(idx[1:, :].reshape(-1)); dst_list.append(idx[:-1, :].reshape(-1))
    src = np.concatenate(src_list).astype(np.int64)
    dst = np.concatenate(dst_list).astype(np.int64)
    return np.stack([src, dst], axis=0)

_EDGES = jnp.asarray(_grid_edges(H, W_GRID))


def setup_inputs(seed: int = 0) -> dict:
    key = jax.random.key(seed)
    k1, k2, k3 = jax.random.split(key, 3)
    inFeatures = jax.random.normal(k1, (BATCH, C_IN, H, W_GRID), dtype=jnp.float32)
    W1 = jax.random.normal(k2, (C_IN, C_HID), dtype=jnp.float32) * (1.0 / np.sqrt(C_IN))
    b1 = jnp.zeros((C_HID,), dtype=jnp.float32)
    W2 = jax.random.normal(k3, (C_HID, C_OUT), dtype=jnp.float32) * (1.0 / np.sqrt(C_HID))
    b2 = jnp.zeros((C_OUT,), dtype=jnp.float32)
    return {"inFeatures": inFeatures, "W1": W1, "b1": b1, "W2": W2, "b2": b2}


def _gcn_conv(x, edge_index, W, b):
    # GCNConv: D^-1/2 (A + I) D^-1/2 X W + b, with self loops added
    N = x.shape[0]
    loop = jnp.arange(N, dtype=edge_index.dtype)
    src = jnp.concatenate([edge_index[0], loop])
    dst = jnp.concatenate([edge_index[1], loop])
    xw = x @ W
    deg = jnp.zeros((N,), dtype=x.dtype).at[dst].add(1.0)
    dinv = jnp.where(deg > 0, deg ** -0.5, 0.0)
    norm = dinv[src] * dinv[dst]
    msgs = jnp.take(xw, src, axis=0) * norm[:, None]
    out = jnp.zeros((N, W.shape[1]), dtype=x.dtype).at[dst].add(msgs)
    return out + b


def reference(inFeatures, W1, b1, W2, b2):
    def per_item(item):
        # item: [C, 35, 35] -> permute(1,2,0) -> [35,35,C] -> flatten -> [1225, C]
        flat = jnp.transpose(item, (1, 2, 0)).reshape(N_NODES, -1)
        out = _gcn_conv(flat, _EDGES, W1, b1)
        out = _gcn_conv(out, _EDGES, W2, b2)
        return out.reshape(C_OUT, H, W_GRID)
    return jax.vmap(per_item)(inFeatures)

if __name__ == "__main__":
    import jax
    _d = setup_inputs()
    print(jax.jit(kernel)(*tuple(_d.values())))

</pallas_src>

<mosaic_0001>
module attributes {stable_mosaic.version = 14 : i64} {
  func.func @_stage1_body(%arg0: i32, %arg1: memref<2800x512xf32, #tpu.memory_space<vmem>>, %arg2: memref<560x512xf32, #tpu.memory_space<vmem>>, %arg3: memref<560x512xf32, #tpu.memory_space<vmem>>, %arg4: memref<560x512xf32, #tpu.memory_space<vmem>>, %arg5: memref<560x512xf32, #tpu.memory_space<vmem>>, %arg6: memref<2800x8xf32, #tpu.memory_space<vmem>>, %arg7: memref<560x8xf32, #tpu.memory_space<vmem>>, %arg8: memref<560x8xf32, #tpu.memory_space<vmem>>, %arg9: memref<560x8xf32, #tpu.memory_space<vmem>>, %arg10: memref<560x8xf32, #tpu.memory_space<vmem>>, %arg11: memref<512x128xf32, #tpu.memory_space<vmem>>, %arg12: memref<175x16x128xf32, #tpu.memory_space<vmem>>) attributes {dimension_semantics = [#tpu.dimension_semantics<parallel>], iteration_bounds = array<i64: 7>, scalar_prefetch = 0 : i64, scratch_operands = 0 : i64, tpu.core_type = #tpu.core_type<tc>, window_params = [{transform_indices = @transform_0, window_bounds = array<i64: 2800, 512>}, {transform_indices = @transform_1, window_bounds = array<i64: 560, 512>}, {transform_indices = @transform_2, window_bounds = array<i64: 560, 512>}, {transform_indices = @transform_3, window_bounds = array<i64: 560, 512>}, {transform_indices = @transform_4, window_bounds = array<i64: 560, 512>}, {transform_indices = @transform_5, window_bounds = array<i64: 2800, 8>}, {transform_indices = @transform_6, window_bounds = array<i64: 560, 8>}, {transform_indices = @transform_7, window_bounds = array<i64: 560, 8>}, {transform_indices = @transform_8, window_bounds = array<i64: 560, 8>}, {transform_indices = @transform_9, window_bounds = array<i64: 560, 8>}, {pipeline_mode = #tpu.pipeline_mode<synchronous>, transform_indices = @transform_10, window_bounds = array<i64: 512, 128>}, {transform_indices = @transform_11, window_bounds = array<i64: 175, 16, 128>}]} {
    %get3A = arith.constant 0 : index
    %get3A_0 = arith.constant 0 : index
    %get3A_1 = vector.load %arg2[%get3A, %get3A_0] : memref<560x512xf32, #tpu.memory_space<vmem>>, vector<560x512xf32>
    %get3A_2 = arith.constant 0 : index
    %get3A_3 = arith.constant 0 : index
    %get3A_4 = vector.load %arg3[%get3A_2, %get3A_3] : memref<560x512xf32, #tpu.memory_space<vmem>>, vector<560x512xf32>
    %get3A_5 = arith.constant 0 : index
    %get3A_6 = arith.constant 0 : index
    %get3A_7 = vector.load %arg1[%get3A_5, %get3A_6] : memref<2800x512xf32, #tpu.memory_space<vmem>>, vector<2800x512xf32>
    %get3A_8 = arith.constant 0 : index
    %get3A_9 = arith.constant 0 : index
    %get3A_10 = vector.load %arg4[%get3A_8, %get3A_9] : memref<560x512xf32, #tpu.memory_space<vmem>>, vector<560x512xf32>
    %get3A_11 = arith.constant 0 : index
    %get3A_12 = arith.constant 0 : index
    %get3A_13 = vector.load %arg5[%get3A_11, %get3A_12] : memref<560x512xf32, #tpu.memory_space<vmem>>, vector<560x512xf32>
    %concatenate3A = tpu.concatenate %get3A_1, %get3A_4, %get3A_7, %get3A_10, %get3A_13 in 0 : vector<560x512xf32>, vector<560x512xf32>, vector<2800x512xf32>, vector<560x512xf32>, vector<560x512xf32> -> vector<5040x512xf32>
    %get3A_14 = arith.constant 0 : index
    %get3A_15 = arith.constant 0 : index
    %get3A_16 = vector.load %arg7[%get3A_14, %get3A_15] : memref<560x8xf32, #tpu.memory_space<vmem>>, vector<560x8xf32>
    %get3A_17 = arith.constant 0 : index
    %get3A_18 = arith.constant 0 : index
    %get3A_19 = vector.load %arg8[%get3A_17, %get3A_18] : memref<560x8xf32, #tpu.memory_space<vmem>>, vector<560x8xf32>
    %get3A_20 = arith.constant 0 : index
    %get3A_21 = arith.constant 0 : index
    %get3A_22 = vector.load %arg6[%get3A_20, %get3A_21] : memref<2800x8xf32, #tpu.memory_space<vmem>>, vector<2800x8xf32>
    %get3A_23 = arith.constant 0 : index
    %get3A_24 = arith.constant 0 : index
    %get3A_25 = vector.load %arg9[%get3A_23, %get3A_24] : memref<560x8xf32, #tpu.memory_space<vmem>>, vector<560x8xf32>
    %get3A_26 = arith.constant 0 : index
    %get3A_27 = arith.constant 0 : index
    %get3A_28 = vector.load %arg10[%get3A_26, %get3A_27] : memref<560x8xf32, #tpu.memory_space<vmem>>, vector<560x8xf32>
    %concatenate3A_29 = tpu.concatenate %get3A_16, %get3A_19, %get3A_22, %get3A_25, %get3A_28 in 0 : vector<560x8xf32>, vector<560x8xf32>, vector<2800x8xf32>, vector<560x8xf32>, vector<560x8xf32> -> vector<5040x8xf32>
    %get3A_30 = arith.constant 0 : index
    %get3A_31 = arith.constant 0 : index
    %get3A_32 = vector.load %arg11[%get3A_30, %get3A_31] : memref<512x128xf32, #tpu.memory_space<vmem>>, vector<512x128xf32>
    %dot_general3A = arith.constant dense<0.000000e+00> : vector<5040x128xf32>
    %dot_general3A_33 = tpu.matmul %concatenate3A, %get3A_32, %dot_general3A {dimension_numbers = #tpu.dot_dimension_numbers<[1], [0], [0], [1], [0, 0, 1, 1], [], []>, transpose_lhs_hint = false} : vector<5040x512xf32>, vector<512x128xf32>, vector<5040x128xf32> -> vector<5040x128xf32>
    %slice3A = vector.extract_strided_slice %concatenate3A_29 {offsets = [0, 0], sizes = [5040, 1], strides = [1, 1]} : vector<5040x8xf32> to vector<5040x1xf32>
    %mul3A = vector.broadcast %slice3A : vector<5040x1xf32> to vector<5040x128xf32>
    %mul3A_34 = arith.mulf %mul3A, %dot_general3A_33 : vector<5040x128xf32>
    %slice3A_35 = vector.extract_strided_slice %concatenate3A_29 {offsets = [0, 1], sizes = [5040, 1], strides = [1, 1]} : vector<5040x8xf32> to vector<5040x1xf32>
    %roll3A = arith.constant 16 : i32
    %roll3A_36 = tpu.dynamic_rotate %dot_general3A_33 by %roll3A dim 0 : vector<5040x128xf32>, i32 -> vector<5040x128xf32>
    %mul3A_37 = vector.broadcast %slice3A_35 : vector<5040x1xf32> to vector<5040x128xf32>
    %mul3A_38 = arith.mulf %mul3A_37, %roll3A_36 : vector<5040x128xf32>
    %add3A = arith.addf %mul3A_34, %mul3A_38 : vector<5040x128xf32>
    %slice3A_39 = vector.extract_strided_slice %concatenate3A_29 {offsets = [0, 2], sizes = [5040, 1], strides = [1, 1]} : vector<5040x8xf32> to vector<5040x1xf32>
    %roll3A_40 = arith.constant 5024 : i32
    %roll3A_41 = tpu.dynamic_rotate %dot_general3A_33 by %roll3A_40 dim 0 : vector<5040x128xf32>, i32 -> vector<5040x128xf32>
    %mul3A_42 = vector.broadcast %slice3A_39 : vector<5040x1xf32> to vector<5040x128xf32>
    %mul3A_43 = arith.mulf %mul3A_42, %roll3A_41 : vector<5040x128xf32>
    %add3A_44 = arith.addf %add3A, %mul3A_43 : vector<5040x128xf32>
    %slice3A_45 = vector.extract_strided_slice %concatenate3A_29 {offsets = [0, 3], sizes = [5040, 1], strides = [1, 1]} : vector<5040x8xf32> to vector<5040x1xf32>
    %roll3A_46 = arith.constant 560 : i32
    %roll3A_47 = tpu.dynamic_rotate %dot_general3A_33 by %roll3A_46 dim 0 : vector<5040x128xf32>, i32 -> vector<5040x128xf32>
    %mul3A_48 = vector.broadcast %slice3A_45 : vector<5040x1xf32> to vector<5040x128xf32>
    %mul3A_49 = arith.mulf %mul3A_48, %roll3A_47 : vector<5040x128xf32>
    %add3A_50 = arith.addf %add3A_44, %mul3A_49 : vector<5040x128xf32>
    %slice3A_51 = vector.extract_strided_slice %concatenate3A_29 {offsets = [0, 4], sizes = [5040, 1], strides = [1, 1]} : vector<5040x8xf32> to vector<5040x1xf32>
    %roll3A_52 = arith.constant 4480 : i32
    %roll3A_53 = tpu.dynamic_rotate %dot_general3A_33 by %roll3A_52 dim 0 : vector<5040x128xf32>, i32 -> vector<5040x128xf32>
    %mul3A_54 = vector.broadcast %slice3A_51 : vector<5040x1xf32> to vector<5040x128xf32>
    %mul3A_55 = arith.mulf %mul3A_54, %roll3A_53 : vector<5040x128xf32>
    %add3A_56 = arith.addf %add3A_50, %mul3A_55 : vector<5040x128xf32>
    %slice3A_57 = vector.extract_strided_slice %concatenate3A_29 {offsets = [0, 0], sizes = [5040, 1], strides = [1, 1]} : vector<5040x8xf32> to vector<5040x1xf32>
    %mul3A_58 = vector.broadcast %slice3A_57 : vector<5040x1xf32> to vector<5040x128xf32>
    %mul3A_59 = arith.mulf %mul3A_58, %add3A_56 : vector<5040x128xf32>
    %slice3A_60 = vector.extract_strided_slice %concatenate3A_29 {offsets = [0, 1], sizes = [5040, 1], strides = [1, 1]} : vector<5040x8xf32> to vector<5040x1xf32>
    %roll3A_61 = arith.constant 16 : i32
    %roll3A_62 = tpu.dynamic_rotate %add3A_56 by %roll3A_61 dim 0 : vector<5040x128xf32>, i32 -> vector<5040x128xf32>
    %mul3A_63 = vector.broadcast %slice3A_60 : vector<5040x1xf32> to vector<5040x128xf32>
    %mul3A_64 = arith.mulf %mul3A_63, %roll3A_62 : vector<5040x128xf32>
    %add3A_65 = arith.addf %mul3A_59, %mul3A_64 : vector<5040x128xf32>
    %slice3A_66 = vector.extract_strided_slice %concatenate3A_29 {offsets = [0, 2], sizes = [5040, 1], strides = [1, 1]} : vector<5040x8xf32> to vector<5040x1xf32>
    %roll3A_67 = arith.constant 5024 : i32
    %roll3A_68 = tpu.dynamic_rotate %add3A_56 by %roll3A_67 dim 0 : vector<5040x128xf32>, i32 -> vector<5040x128xf32>
    %mul3A_69 = vector.broadcast %slice3A_66 : vector<5040x1xf32> to vector<5040x128xf32>
    %mul3A_70 = arith.mulf %mul3A_69, %roll3A_68 : vector<5040x128xf32>
    %add3A_71 = arith.addf %add3A_65, %mul3A_70 : vector<5040x128xf32>
    %slice3A_72 = vector.extract_strided_slice %concatenate3A_29 {offsets = [0, 3], sizes = [5040, 1], strides = [1, 1]} : vector<5040x8xf32> to vector<5040x1xf32>
    %roll3A_73 = arith.constant 560 : i32
    %roll3A_74 = tpu.dynamic_rotate %add3A_56 by %roll3A_73 dim 0 : vector<5040x128xf32>, i32 -> vector<5040x128xf32>
    %mul3A_75 = vector.broadcast %slice3A_72 : vector<5040x1xf32> to vector<5040x128xf32>
    %mul3A_76 = arith.mulf %mul3A_75, %roll3A_74 : vector<5040x128xf32>
    %add3A_77 = arith.addf %add3A_71, %mul3A_76 : vector<5040x128xf32>
    %slice3A_78 = vector.extract_strided_slice %concatenate3A_29 {offsets = [0, 4], sizes = [5040, 1], strides = [1, 1]} : vector<5040x8xf32> to vector<5040x1xf32>
    %roll3A_79 = arith.constant 4480 : i32
    %roll3A_80 = tpu.dynamic_rotate %add3A_56 by %roll3A_79 dim 0 : vector<5040x128xf32>, i32 -> vector<5040x128xf32>
    %mul3A_81 = vector.broadcast %slice3A_78 : vector<5040x1xf32> to vector<5040x128xf32>
    %mul3A_82 = arith.mulf %mul3A_81, %roll3A_80 : vector<5040x128xf32>
    %add3A_83 = arith.addf %add3A_77, %mul3A_82 : vector<5040x128xf32>
    %slice3A_84 = vector.extract_strided_slice %add3A_83 {offsets = [1120, 0], sizes = [2800, 128], strides = [1, 1]} : vector<5040x128xf32> to vector<2800x128xf32>
    %reshape3A = vector.shape_cast %slice3A_84 : vector<2800x128xf32> to vector<175x16x128xf32>
    %swap3A = arith.constant 0 : index
    %swap3A_85 = arith.constant 0 : index
    %swap3A_86 = arith.constant 0 : index
    %swap3A_87 = vector.load %arg12[%swap3A, %swap3A_85, %swap3A_86] : memref<175x16x128xf32, #tpu.memory_space<vmem>>, vector<175x16x128xf32>
    tpu.vector_store %arg12[%swap3A, %swap3A_85, %swap3A_86], %reshape3A {strides = array<i32>} : memref<175x16x128xf32, #tpu.memory_space<vmem>>, vector<175x16x128xf32>,
    return
  }
  func.func @transform_0(%arg0: i32) -> (i32, i32) {
    %c0_i32 = arith.constant 0 : i32
    %c0_i32_0 = arith.constant 0 : i32
    return %arg0, %c0_i32 : i32, i32
  }
  func.func @transform_1(%arg0: i32) -> (i32, i32) {
    %mul3A = arith.constant 5 : i32
    %mul3A_0 = arith.muli %arg0, %mul3A : i32
    %sub3A = arith.constant 2 : i32
    %sub3A_1 = arith.subi %mul3A_0, %sub3A : i32
    %max3A = arith.constant 0 : i32
    %max3A_2 = arith.maxsi %sub3A_1, %max3A : i32
    %c0_i32 = arith.constant 0 : i32
    %c0_i32_3 = arith.constant 0 : i32
    return %max3A_2, %c0_i32 : i32, i32
  }
  func.func @transform_2(%arg0: i32) -> (i32, i32) {
    %mul3A = arith.constant 5 : i32
    %mul3A_0 = arith.muli %arg0, %mul3A : i32
    %sub3A = arith.constant 1 : i32
    %sub3A_1 = arith.subi %mul3A_0, %sub3A : i32
    %max3A = arith.constant 0 : i32
    %max3A_2 = arith.maxsi %sub3A_1, %max3A : i32
    %c0_i32 = arith.constant 0 : i32
    %c0_i32_3 = arith.constant 0 : i32
    return %max3A_2, %c0_i32 : i32, i32
  }
  func.func @transform_3(%arg0: i32) -> (i32, i32) {
    %mul3A = arith.constant 5 : i32
    %mul3A_0 = arith.muli %arg0, %mul3A : i32
    %add3A = arith.constant 5 : i32
    %add3A_1 = arith.addi %mul3A_0, %add3A : i32
    %min3A = arith.constant 34 : i32
    %min3A_2 = arith.minsi %add3A_1, %min3A : i32
    %c0_i32 = arith.constant 0 : i32
    %c0_i32_3 = arith.constant 0 : i32
    return %min3A_2, %c0_i32 : i32, i32
  }
  func.func @transform_4(%arg0: i32) -> (i32, i32) {
    %mul3A = arith.constant 5 : i32
    %mul3A_0 = arith.muli %arg0, %mul3A : i32
    %add3A = arith.constant 5 : i32
    %add3A_1 = arith.addi %mul3A_0, %add3A : i32
    %add3A_2 = arith.constant 1 : i32
    %add3A_3 = arith.addi %add3A_1, %add3A_2 : i32
    %min3A = arith.constant 34 : i32
    %min3A_4 = arith.minsi %add3A_3, %min3A : i32
    %c0_i32 = arith.constant 0 : i32
    %c0_i32_5 = arith.constant 0 : i32
    return %min3A_4, %c0_i32 : i32, i32
  }
  func.func @transform_5(%arg0: i32) -> (i32, i32) {
    %c0_i32 = arith.constant 0 : i32
    %c0_i32_0 = arith.constant 0 : i32
    return %arg0, %c0_i32 : i32, i32
  }
  func.func @transform_6(%arg0: i32) -> (i32, i32) {
    %mul3A = arith.constant 5 : i32
    %mul3A_0 = arith.muli %arg0, %mul3A : i32
    %sub3A = arith.constant 2 : i32
    %sub3A_1 = arith.subi %mul3A_0, %sub3A : i32
    %max3A = arith.constant 0 : i32
    %max3A_2 = arith.maxsi %sub3A_1, %max3A : i32
    %c0_i32 = arith.constant 0 : i32
    %c0_i32_3 = arith.constant 0 : i32
    return %max3A_2, %c0_i32 : i32, i32
  }
  func.func @transform_7(%arg0: i32) -> (i32, i32) {
    %mul3A = arith.constant 5 : i32
    %mul3A_0 = arith.muli %arg0, %mul3A : i32
    %sub3A = arith.constant 1 : i32
    %sub3A_1 = arith.subi %mul3A_0, %sub3A : i32
    %max3A = arith.constant 0 : i32
    %max3A_2 = arith.maxsi %sub3A_1, %max3A : i32
    %c0_i32 = arith.constant 0 : i32
    %c0_i32_3 = arith.constant 0 : i32
    return %max3A_2, %c0_i32 : i32, i32
  }
  func.func @transform_8(%arg0: i32) -> (i32, i32) {
    %mul3A = arith.constant 5 : i32
    %mul3A_0 = arith.muli %arg0, %mul3A : i32
    %add3A = arith.constant 5 : i32
    %add3A_1 = arith.addi %mul3A_0, %add3A : i32
    %min3A = arith.constant 34 : i32
    %min3A_2 = arith.minsi %add3A_1, %min3A : i32
    %c0_i32 = arith.constant 0 : i32
    %c0_i32_3 = arith.constant 0 : i32
    return %min3A_2, %c0_i32 : i32, i32
  }
  func.func @transform_9(%arg0: i32) -> (i32, i32) {
    %mul3A = arith.constant 5 : i32
    %mul3A_0 = arith.muli %arg0, %mul3A : i32
    %add3A = arith.constant 5 : i32
    %add3A_1 = arith.addi %mul3A_0, %add3A : i32
    %add3A_2 = arith.constant 1 : i32
    %add3A_3 = arith.addi %add3A_1, %add3A_2 : i32
    %min3A = arith.constant 34 : i32
    %min3A_4 = arith.minsi %add3A_3, %min3A : i32
    %c0_i32 = arith.constant 0 : i32
    %c0_i32_5 = arith.constant 0 : i32
    return %min3A_4, %c0_i32 : i32, i32
  }
  func.func @transform_10(%arg0: i32) -> (i32, i32) {
    %c0_i32 = arith.constant 0 : i32
    %c0_i32_0 = arith.constant 0 : i32
    %c0_i32_1 = arith.constant 0 : i32
    return %c0_i32, %c0_i32_0 : i32, i32
  }
  func.func @transform_11(%arg0: i32) -> (i32, i32, i32) {
    %c0_i32 = arith.constant 0 : i32
    %c0_i32_0 = arith.constant 0 : i32
    %c0_i32_1 = arith.constant 0 : i32
    return %arg0, %c0_i32, %c0_i32_0 : i32, i32, i32
  }
}

module attributes {stable_mosaic.version = 14 : i64} {
  func.func @_stage2_body(%arg0: i32, %arg1: memref<1225x16x128xf32, #tpu.memory_space<vmem>>, %arg2: memref<128x128xf32, #tpu.memory_space<vmem>>, %arg3: memref<1x128xf32, #tpu.memory_space<vmem>>, %arg4: memref<1x128xf32, #tpu.memory_space<vmem>>, %arg5: memref<1225x1xf32, #tpu.memory_space<vmem>>, %arg6: memref<16x1225x128xf32, #tpu.memory_space<vmem>>) attributes {dimension_semantics = [#tpu.dimension_semantics<parallel>], iteration_bounds = array<i64: 4>, scalar_prefetch = 0 : i64, scratch_operands = 0 : i64, tpu.core_type = #tpu.core_type<tc>, window_params = [{pipeline_mode = #tpu.pipeline_mode<synchronous>, transform_indices = @transform_0, window_bounds = array<i64: 1225, 16, 128>}, {transform_indices = @transform_1, window_bounds = array<i64: 128, 128>}, {pipeline_mode = #tpu.pipeline_mode<synchronous>, transform_indices = @transform_2, window_bounds = array<i64: 1, 128>}, {transform_indices = @transform_3, window_bounds = array<i64: 1, 128>}, {pipeline_mode = #tpu.pipeline_mode<synchronous>, transform_indices = @transform_4, window_bounds = array<i64: 1225, 1>}, {transform_indices = @transform_5, window_bounds = array<i64: 16, 1225, 128>}]} {
    %get3A = arith.constant 0 : index
    %get3A_0 = arith.constant 0 : index
    %get3A_1 = vector.load %arg3[%get3A, %get3A_0] : memref<1x128xf32, #tpu.memory_space<vmem>>, vector<1x128xf32>
    %get3A_2 = arith.constant 0 : index
    %get3A_3 = arith.constant 0 : index
    %get3A_4 = vector.load %arg2[%get3A_2, %get3A_3] : memref<128x128xf32, #tpu.memory_space<vmem>>, vector<128x128xf32>
    %dot_general3A = arith.constant dense<0.000000e+00> : vector<1x128xf32>
    %dot_general3A_5 = tpu.matmul %get3A_1, %get3A_4, %dot_general3A {dimension_numbers = #tpu.dot_dimension_numbers<[1], [0], [0], [1], [0, 0, 1, 1], [], []>, transpose_lhs_hint = false} : vector<1x128xf32>, vector<128x128xf32>, vector<1x128xf32> -> vector<1x128xf32>
    %get3A_6 = arith.constant 0 : index
    %get3A_7 = arith.constant 0 : index
    %get3A_8 = vector.load %arg5[%get3A_6, %get3A_7] : memref<1225x1xf32, #tpu.memory_space<vmem>>, vector<1225x1xf32>
    %mul3A = vector.broadcast %get3A_8 : vector<1225x1xf32> to vector<1225x128xf32>
    %mul3A_9 = vector.broadcast %dot_general3A_5 : vector<1x128xf32> to vector<1225x128xf32>
    %mul3A_10 = arith.mulf %mul3A, %mul3A_9 : vector<1225x128xf32>
    %get3A_11 = arith.constant 0 : index
    %get3A_12 = arith.constant 0 : index
    %get3A_13 = vector.load %arg4[%get3A_11, %get3A_12] : memref<1x128xf32, #tpu.memory_space<vmem>>, vector<1x128xf32>
    %add3A = vector.broadcast %get3A_13 : vector<1x128xf32> to vector<1225x128xf32>
    %add3A_14 = arith.addf %mul3A_10, %add3A : vector<1225x128xf32>
    %get3A_15 = arith.constant 0 : index
    %get3A_16 = arith.constant 0 : index
    %get3A_17 = arith.constant 0 : index
    %get3A_18 = vector.load %arg1[%get3A_15, %get3A_16, %get3A_17] : memref<1225x16x128xf32, #tpu.memory_space<vmem>>, vector<1225x1x128xf32>
    %get3A_19 = vector.shape_cast %get3A_18 : vector<1225x1x128xf32> to vector<1225x128xf32>
    %get3A_20 = arith.constant 0 : index
    %get3A_21 = arith.constant 0 : index
    %get3A_22 = vector.load %arg2[%get3A_20, %get3A_21] : memref<128x128xf32, #tpu.memory_space<vmem>>, vector<128x128xf32>
    %dot_general3A_23 = arith.constant dense<0.000000e+00> : vector<1225x128xf32>
    %dot_general3A_24 = tpu.matmul %get3A_19, %get3A_22, %dot_general3A_23 {dimension_numbers = #tpu.dot_dimension_numbers<[1], [0], [0], [1], [0, 0, 1, 1], [], []>, transpose_lhs_hint = false} : vector<1225x128xf32>, vector<128x128xf32>, vector<1225x128xf32> -> vector<1225x128xf32>
    %add3A_25 = arith.addf %dot_general3A_24, %add3A_14 : vector<1225x128xf32>
    %swap3A = arith.constant 0 : index
    %swap3A_26 = arith.constant 0 : index
    %swap3A_27 = arith.constant 0 : index
    %swap3A_28 = vector.load %arg6[%swap3A, %swap3A_26, %swap3A_27] : memref<16x1225x128xf32, #tpu.memory_space<vmem>>, vector<1x1225x128xf32>
    %swap3A_29 = vector.shape_cast %swap3A_28 : vector<1x1225x128xf32> to vector<1225x128xf32>
    %swap3A_30 = vector.shape_cast %add3A_25 : vector<1225x128xf32> to vector<1x1225x128xf32>
    tpu.vector_store %arg6[%swap3A, %swap3A_26, %swap3A_27], %swap3A_30 {strides = array<i32>} : memref<16x1225x128xf32, #tpu.memory_space<vmem>>, vector<1x1225x128xf32>,
    %get3A_31 = arith.constant 0 : index
    %get3A_32 = arith.constant 1 : index
    %get3A_33 = arith.constant 0 : index
    %get3A_34 = vector.load %arg1[%get3A_31, %get3A_32, %get3A_33] : memref<1225x16x128xf32, #tpu.memory_space<vmem>>, vector<1225x1x128xf32>
    %get3A_35 = vector.shape_cast %get3A_34 : vector<1225x1x128xf32> to vector<1225x128xf32>
    %get3A_36 = arith.constant 0 : index
    %get3A_37 = arith.constant 0 : index
    %get3A_38 = vector.load %arg2[%get3A_36, %get3A_37] : memref<128x128xf32, #tpu.memory_space<vmem>>, vector<128x128xf32>
    %dot_general3A_39 = arith.constant dense<0.000000e+00> : vector<1225x128xf32>
    %dot_general3A_40 = tpu.matmul %get3A_35, %get3A_38, %dot_general3A_39 {dimension_numbers = #tpu.dot_dimension_numbers<[1], [0], [0], [1], [0, 0, 1, 1], [], []>, transpose_lhs_hint = false} : vector<1225x128xf32>, vector<128x128xf32>, vector<1225x128xf32> -> vector<1225x128xf32>
    %add3A_41 = arith.addf %dot_general3A_40, %add3A_14 : vector<1225x128xf32>
    %swap3A_42 = arith.constant 1 : index
    %swap3A_43 = arith.constant 0 : index
    %swap3A_44 = arith.constant 0 : index
    %swap3A_45 = vector.load %arg6[%swap3A_42, %swap3A_43, %swap3A_44] : memref<16x1225x128xf32, #tpu.memory_space<vmem>>, vector<1x1225x128xf32>
    %swap3A_46 = vector.shape_cast %swap3A_45 : vector<1x1225x128xf32> to vector<1225x128xf32>
    %swap3A_47 = vector.shape_cast %add3A_41 : vector<1225x128xf32> to vector<1x1225x128xf32>
    tpu.vector_store %arg6[%swap3A_42, %swap3A_43, %swap3A_44], %swap3A_47 {strides = array<i32>} : memref<16x1225x128xf32, #tpu.memory_space<vmem>>, vector<1x1225x128xf32>,
    %get3A_48 = arith.constant 0 : index
    %get3A_49 = arith.constant 2 : index
    %get3A_50 = arith.constant 0 : index
    %get3A_51 = vector.load %arg1[%get3A_48, %get3A_49, %get3A_50] : memref<1225x16x128xf32, #tpu.memory_space<vmem>>, vector<1225x1x128xf32>
    %get3A_52 = vector.shape_cast %get3A_51 : vector<1225x1x128xf32> to vector<1225x128xf32>
    %get3A_53 = arith.constant 0 : index
    %get3A_54 = arith.constant 0 : index
    %get3A_55 = vector.load %arg2[%get3A_53, %get3A_54] : memref<128x128xf32, #tpu.memory_space<vmem>>, vector<128x128xf32>
    %dot_general3A_56 = arith.constant dense<0.000000e+00> : vector<1225x128xf32>
    %dot_general3A_57 = tpu.matmul %get3A_52, %get3A_55, %dot_general3A_56 {dimension_numbers = #tpu.dot_dimension_numbers<[1], [0], [0], [1], [0, 0, 1, 1], [], []>, transpose_lhs_hint = false} : vector<1225x128xf32>, vector<128x128xf32>, vector<1225x128xf32> -> vector<1225x128xf32>
    %add3A_58 = arith.addf %dot_general3A_57, %add3A_14 : vector<1225x128xf32>
    %swap3A_59 = arith.constant 2 : index
    %swap3A_60 = arith.constant 0 : index
    %swap3A_61 = arith.constant 0 : index
    %swap3A_62 = vector.load %arg6[%swap3A_59, %swap3A_60, %swap3A_61] : memref<16x1225x128xf32, #tpu.memory_space<vmem>>, vector<1x1225x128xf32>
    %swap3A_63 = vector.shape_cast %swap3A_62 : vector<1x1225x128xf32> to vector<1225x128xf32>
    %swap3A_64 = vector.shape_cast %add3A_58 : vector<1225x128xf32> to vector<1x1225x128xf32>
    tpu.vector_store %arg6[%swap3A_59, %swap3A_60, %swap3A_61], %swap3A_64 {strides = array<i32>} : memref<16x1225x128xf32, #tpu.memory_space<vmem>>, vector<1x1225x128xf32>,
    %get3A_65 = arith.constant 0 : index
    %get3A_66 = arith.constant 3 : index
    %get3A_67 = arith.constant 0 : index
    %get3A_68 = vector.load %arg1[%get3A_65, %get3A_66, %get3A_67] : memref<1225x16x128xf32, #tpu.memory_space<vmem>>, vector<1225x1x128xf32>
    %get3A_69 = vector.shape_cast %get3A_68 : vector<1225x1x128xf32> to vector<1225x128xf32>
    %get3A_70 = arith.constant 0 : index
    %get3A_71 = arith.constant 0 : index
    %get3A_72 = vector.load %arg2[%get3A_70, %get3A_71] : memref<128x128xf32, #tpu.memory_space<vmem>>, vector<128x128xf32>
    %dot_general3A_73 = arith.constant dense<0.000000e+00> : vector<1225x128xf32>
    %dot_general3A_74 = tpu.matmul %get3A_69, %get3A_72, %dot_general3A_73 {dimension_numbers = #tpu.dot_dimension_numbers<[1], [0], [0], [1], [0, 0, 1, 1], [], []>, transpose_lhs_hint = false} : vector<1225x128xf32>, vector<128x128xf32>, vector<1225x128xf32> -> vector<1225x128xf32>
    %add3A_75 = arith.addf %dot_general3A_74, %add3A_14 : vector<1225x128xf32>
    %swap3A_76 = arith.constant 3 : index
    %swap3A_77 = arith.constant 0 : index
    %swap3A_78 = arith.constant 0 : index
    %swap3A_79 = vector.load %arg6[%swap3A_76, %swap3A_77, %swap3A_78] : memref<16x1225x128xf32, #tpu.memory_space<vmem>>, vector<1x1225x128xf32>
    %swap3A_80 = vector.shape_cast %swap3A_79 : vector<1x1225x128xf32> to vector<1225x128xf32>
    %swap3A_81 = vector.shape_cast %add3A_75 : vector<1225x128xf32> to vector<1x1225x128xf32>
    tpu.vector_store %arg6[%swap3A_76, %swap3A_77, %swap3A_78], %swap3A_81 {strides = array<i32>} : memref<16x1225x128xf32, #tpu.memory_space<vmem>>, vector<1x1225x128xf32>,
    %get3A_82 = arith.constant 0 : index
    %get3A_83 = arith.constant 4 : index
    %get3A_84 = arith.constant 0 : index
    %get3A_85 = vector.load %arg1[%get3A_82, %get3A_83, %get3A_84] : memref<1225x16x128xf32, #tpu.memory_space<vmem>>, vector<1225x1x128xf32>
    %get3A_86 = vector.shape_cast %get3A_85 : vector<1225x1x128xf32> to vector<1225x128xf32>
    %get3A_87 = arith.constant 0 : index
    %get3A_88 = arith.constant 0 : index
    %get3A_89 = vector.load %arg2[%get3A_87, %get3A_88] : memref<128x128xf32, #tpu.memory_space<vmem>>, vector<128x128xf32>
    %dot_general3A_90 = arith.constant dense<0.000000e+00> : vector<1225x128xf32>
    %dot_general3A_91 = tpu.matmul %get3A_86, %get3A_89, %dot_general3A_90 {dimension_numbers = #tpu.dot_dimension_numbers<[1], [0], [0], [1], [0, 0, 1, 1], [], []>, transpose_lhs_hint = false} : vector<1225x128xf32>, vector<128x128xf32>, vector<1225x128xf32> -> vector<1225x128xf32>
    %add3A_92 = arith.addf %dot_general3A_91, %add3A_14 : vector<1225x128xf32>
    %swap3A_93 = arith.constant 4 : index
    %swap3A_94 = arith.constant 0 : index
    %swap3A_95 = arith.constant 0 : index
    %swap3A_96 = vector.load %arg6[%swap3A_93, %swap3A_94, %swap3A_95] : memref<16x1225x128xf32, #tpu.memory_space<vmem>>, vector<1x1225x128xf32>
    %swap3A_97 = vector.shape_cast %swap3A_96 : vector<1x1225x128xf32> to vector<1225x128xf32>
    %swap3A_98 = vector.shape_cast %add3A_92 : vector<1225x128xf32> to vector<1x1225x128xf32>
    tpu.vector_store %arg6[%swap3A_93, %swap3A_94, %swap3A_95], %swap3A_98 {strides = array<i32>} : memref<16x1225x128xf32, #tpu.memory_space<vmem>>, vector<1x1225x128xf32>,
    %get3A_99 = arith.constant 0 : index
    %get3A_100 = arith.constant 5 : index
    %get3A_101 = arith.constant 0 : index
    %get3A_102 = vector.load %arg1[%get3A_99, %get3A_100, %get3A_101] : memref<1225x16x128xf32, #tpu.memory_space<vmem>>, vector<1225x1x128xf32>
    %get3A_103 = vector.shape_cast %get3A_102 : vector<1225x1x128xf32> to vector<1225x128xf32>
    %get3A_104 = arith.constant 0 : index
    %get3A_105 = arith.constant 0 : index
    %get3A_106 = vector.load %arg2[%get3A_104, %get3A_105] : memref<128x128xf32, #tpu.memory_space<vmem>>, vector<128x128xf32>
    %dot_general3A_107 = arith.constant dense<0.000000e+00> : vector<1225x128xf32>
    %dot_general3A_108 = tpu.matmul %get3A_103, %get3A_106, %dot_general3A_107 {dimension_numbers = #tpu.dot_dimension_numbers<[1], [0], [0], [1], [0, 0, 1, 1], [], []>, transpose_lhs_hint = false} : vector<1225x128xf32>, vector<128x128xf32>, vector<1225x128xf32> -> vector<1225x128xf32>
    %add3A_109 = arith.addf %dot_general3A_108, %add3A_14 : vector<1225x128xf32>
    %swap3A_110 = arith.constant 5 : index
    %swap3A_111 = arith.constant 0 : index
    %swap3A_112 = arith.constant 0 : index
    %swap3A_113 = vector.load %arg6[%swap3A_110, %swap3A_111, %swap3A_112] : memref<16x1225x128xf32, #tpu.memory_space<vmem>>, vector<1x1225x128xf32>
    %swap3A_114 = vector.shape_cast %swap3A_113 : vector<1x1225x128xf32> to vector<1225x128xf32>
    %swap3A_115 = vector.shape_cast %add3A_109 : vector<1225x128xf32> to vector<1x1225x128xf32>
    tpu.vector_store %arg6[%swap3A_110, %swap3A_111, %swap3A_112], %swap3A_115 {strides = array<i32>} : memref<16x1225x128xf32, #tpu.memory_space<vmem>>, vector<1x1225x128xf32>,
    %get3A_116 = arith.constant 0 : index
    %get3A_117 = arith.constant 6 : index
    %get3A_118 = arith.constant 0 : index
    %get3A_119 = vector.load %arg1[%get3A_116, %get3A_117, %get3A_118] : memref<1225x16x128xf32, #tpu.memory_space<vmem>>, vector<1225x1x128xf32>
    %get3A_120 = vector.shape_cast %get3A_119 : vector<1225x1x128xf32> to vector<1225x128xf32>
    %get3A_121 = arith.constant 0 : index
    %get3A_122 = arith.constant 0 : index
    %get3A_123 = vector.load %arg2[%get3A_121, %get3A_122] : memref<128x128xf32, #tpu.memory_space<vmem>>, vector<128x128xf32>
    %dot_general3A_124 = arith.constant dense<0.000000e+00> : vector<1225x128xf32>
    %dot_general3A_125 = tpu.matmul %get3A_120, %get3A_123, %dot_general3A_124 {dimension_numbers = #tpu.dot_dimension_numbers<[1], [0], [0], [1], [0, 0, 1, 1], [], []>, transpose_lhs_hint = false} : vector<1225x128xf32>, vector<128x128xf32>, vector<1225x128xf32> -> vector<1225x128xf32>
    %add3A_126 = arith.addf %dot_general3A_125, %add3A_14 : vector<1225x128xf32>
    %swap3A_127 = arith.constant 6 : index
    %swap3A_128 = arith.constant 0 : index
    %swap3A_129 = arith.constant 0 : index
    %swap3A_130 = vector.load %arg6[%swap3A_127, %swap3A_128, %swap3A_129] : memref<16x1225x128xf32, #tpu.memory_space<vmem>>, vector<1x1225x128xf32>
    %swap3A_131 = vector.shape_cast %swap3A_130 : vector<1x1225x128xf32> to vector<1225x128xf32>
    %swap3A_132 = vector.shape_cast %add3A_126 : vector<1225x128xf32> to vector<1x1225x128xf32>
    tpu.vector_store %arg6[%swap3A_127, %swap3A_128, %swap3A_129], %swap3A_132 {strides = array<i32>} : memref<16x1225x128xf32, #tpu.memory_space<vmem>>, vector<1x1225x128xf32>,
    %get3A_133 = arith.constant 0 : index
    %get3A_134 = arith.constant 7 : index
    %get3A_135 = arith.constant 0 : index
    %get3A_136 = vector.load %arg1[%get3A_133, %get3A_134, %get3A_135] : memref<1225x16x128xf32, #tpu.memory_space<vmem>>, vector<1225x1x128xf32>
    %get3A_137 = vector.shape_cast %get3A_136 : vector<1225x1x128xf32> to vector<1225x128xf32>
    %get3A_138 = arith.constant 0 : index
    %get3A_139 = arith.constant 0 : index
    %get3A_140 = vector.load %arg2[%get3A_138, %get3A_139] : memref<128x128xf32, #tpu.memory_space<vmem>>, vector<128x128xf32>
    %dot_general3A_141 = arith.constant dense<0.000000e+00> : vector<1225x128xf32>
    %dot_general3A_142 = tpu.matmul %get3A_137, %get3A_140, %dot_general3A_141 {dimension_numbers = #tpu.dot_dimension_numbers<[1], [0], [0], [1], [0, 0, 1, 1], [], []>, transpose_lhs_hint = false} : vector<1225x128xf32>, vector<128x128xf32>, vector<1225x128xf32> -> vector<1225x128xf32>
    %add3A_143 = arith.addf %dot_general3A_142, %add3A_14 : vector<1225x128xf32>
    %swap3A_144 = arith.constant 7 : index
    %swap3A_145 = arith.constant 0 : index
    %swap3A_146 = arith.constant 0 : index
    %swap3A_147 = vector.load %arg6[%swap3A_144, %swap3A_145, %swap3A_146] : memref<16x1225x128xf32, #tpu.memory_space<vmem>>, vector<1x1225x128xf32>
    %swap3A_148 = vector.shape_cast %swap3A_147 : vector<1x1225x128xf32> to vector<1225x128xf32>
    %swap3A_149 = vector.shape_cast %add3A_143 : vector<1225x128xf32> to vector<1x1225x128xf32>
    tpu.vector_store %arg6[%swap3A_144, %swap3A_145, %swap3A_146], %swap3A_149 {strides = array<i32>} : memref<16x1225x128xf32, #tpu.memory_space<vmem>>, vector<1x1225x128xf32>,
    %get3A_150 = arith.constant 0 : index
    %get3A_151 = arith.constant 8 : index
    %get3A_152 = arith.constant 0 : index
    %get3A_153 = vector.load %arg1[%get3A_150, %get3A_151, %get3A_152] : memref<1225x16x128xf32, #tpu.memory_space<vmem>>, vector<1225x1x128xf32>
    %get3A_154 = vector.shape_cast %get3A_153 : vector<1225x1x128xf32> to vector<1225x128xf32>
    %get3A_155 = arith.constant 0 : index
    %get3A_156 = arith.constant 0 : index
    %get3A_157 = vector.load %arg2[%get3A_155, %get3A_156] : memref<128x128xf32, #tpu.memory_space<vmem>>, vector<128x128xf32>
    %dot_general3A_158 = arith.constant dense<0.000000e+00> : vector<1225x128xf32>
    %dot_general3A_159 = tpu.matmul %get3A_154, %get3A_157, %dot_general3A_158 {dimension_numbers = #tpu.dot_dimension_numbers<[1], [0], [0], [1], [0, 0, 1, 1], [], []>, transpose_lhs_hint = false} : vector<1225x128xf32>, vector<128x128xf32>, vector<1225x128xf32> -> vector<1225x128xf32>
    %add3A_160 = arith.addf %dot_general3A_159, %add3A_14 : vector<1225x128xf32>
    %swap3A_161 = arith.constant 8 : index
    %swap3A_162 = arith.constant 0 : index
    %swap3A_163 = arith.constant 0 : index
    %swap3A_164 = vector.load %arg6[%swap3A_161, %swap3A_162, %swap3A_163] : memref<16x1225x128xf32, #tpu.memory_space<vmem>>, vector<1x1225x128xf32>
    %swap3A_165 = vector.shape_cast %swap3A_164 : vector<1x1225x128xf32> to vector<1225x128xf32>
    %swap3A_166 = vector.shape_cast %add3A_160 : vector<1225x128xf32> to vector<1x1225x128xf32>
    tpu.vector_store %arg6[%swap3A_161, %swap3A_162, %swap3A_163], %swap3A_166 {strides = array<i32>} : memref<16x1225x128xf32, #tpu.memory_space<vmem>>, vector<1x1225x128xf32>,
    %get3A_167 = arith.constant 0 : index
    %get3A_168 = arith.constant 9 : index
    %get3A_169 = arith.constant 0 : index
    %get3A_170 = vector.load %arg1[%get3A_167, %get3A_168, %get3A_169] : memref<1225x16x128xf32, #tpu.memory_space<vmem>>, vector<1225x1x128xf32>
    %get3A_171 = vector.shape_cast %get3A_170 : vector<1225x1x128xf32> to vector<1225x128xf32>
    %get3A_172 = arith.constant 0 : index
    %get3A_173 = arith.constant 0 : index
    %get3A_174 = vector.load %arg2[%get3A_172, %get3A_173] : memref<128x128xf32, #tpu.memory_space<vmem>>, vector<128x128xf32>
    %dot_general3A_175 = arith.constant dense<0.000000e+00> : vector<1225x128xf32>
    %dot_general3A_176 = tpu.matmul %get3A_171, %get3A_174, %dot_general3A_175 {dimension_numbers = #tpu.dot_dimension_numbers<[1], [0], [0], [1], [0, 0, 1, 1], [], []>, transpose_lhs_hint = false} : vector<1225x128xf32>, vector<128x128xf32>, vector<1225x128xf32> -> vector<1225x128xf32>
    %add3A_177 = arith.addf %dot_general3A_176, %add3A_14 : vector<1225x128xf32>
    %swap3A_178 = arith.constant 9 : index
    %swap3A_179 = arith.constant 0 : index
    %swap3A_180 = arith.constant 0 : index
    %swap3A_181 = vector.load %arg6[%swap3A_178, %swap3A_179, %swap3A_180] : memref<16x1225x128xf32, #tpu.memory_space<vmem>>, vector<1x1225x128xf32>
    %swap3A_182 = vector.shape_cast %swap3A_181 : vector<1x1225x128xf32> to vector<1225x128xf32>
    %swap3A_183 = vector.shape_cast %add3A_177 : vector<1225x128xf32> to vector<1x1225x128xf32>
    tpu.vector_store %arg6[%swap3A_178, %swap3A_179, %swap3A_180], %swap3A_183 {strides = array<i32>} : memref<16x1225x128xf32, #tpu.memory_space<vmem>>, vector<1x1225x128xf32>,
    %get3A_184 = arith.constant 0 : index
    %get3A_185 = arith.constant 10 : index
    %get3A_186 = arith.constant 0 : index
    %get3A_187 = vector.load %arg1[%get3A_184, %get3A_185, %get3A_186] : memref<1225x16x128xf32, #tpu.memory_space<vmem>>, vector<1225x1x128xf32>
    %get3A_188 = vector.shape_cast %get3A_187 : vector<1225x1x128xf32> to vector<1225x128xf32>
    %get3A_189 = arith.constant 0 : index
    %get3A_190 = arith.constant 0 : index
    %get3A_191 = vector.load %arg2[%get3A_189, %get3A_190] : memref<128x128xf32, #tpu.memory_space<vmem>>, vector<128x128xf32>
    %dot_general3A_192 = arith.constant dense<0.000000e+00> : vector<1225x128xf32>
    %dot_general3A_193 = tpu.matmul %get3A_188, %get3A_191, %dot_general3A_192 {dimension_numbers = #tpu.dot_dimension_numbers<[1], [0], [0], [1], [0, 0, 1, 1], [], []>, transpose_lhs_hint = false} : vector<1225x128xf32>, vector<128x128xf32>, vector<1225x128xf32> -> vector<1225x128xf32>
    %add3A_194 = arith.addf %dot_general3A_193, %add3A_14 : vector<1225x128xf32>
    %swap3A_195 = arith.constant 10 : index
    %swap3A_196 = arith.constant 0 : index
    %swap3A_197 = arith.constant 0 : index
    %swap3A_198 = vector.load %arg6[%swap3A_195, %swap3A_196, %swap3A_197] : memref<16x1225x128xf32, #tpu.memory_space<vmem>>, vector<1x1225x128xf32>
    %swap3A_199 = vector.shape_cast %swap3A_198 : vector<1x1225x128xf32> to vector<1225x128xf32>
    %swap3A_200 = vector.shape_cast %add3A_194 : vector<1225x128xf32> to vector<1x1225x128xf32>
    tpu.vector_store %arg6[%swap3A_195, %swap3A_196, %swap3A_197], %swap3A_200 {strides = array<i32>} : memref<16x1225x128xf32, #tpu.memory_space<vmem>>, vector<1x1225x128xf32>,
    %get3A_201 = arith.constant 0 : index
    %get3A_202 = arith.constant 11 : index
    %get3A_203 = arith.constant 0 : index
    %get3A_204 = vector.load %arg1[%get3A_201, %get3A_202, %get3A_203] : memref<1225x16x128xf32, #tpu.memory_space<vmem>>, vector<1225x1x128xf32>
    %get3A_205 = vector.shape_cast %get3A_204 : vector<1225x1x128xf32> to vector<1225x128xf32>
    %get3A_206 = arith.constant 0 : index
    %get3A_207 = arith.constant 0 : index
    %get3A_208 = vector.load %arg2[%get3A_206, %get3A_207] : memref<128x128xf32, #tpu.memory_space<vmem>>, vector<128x128xf32>
    %dot_general3A_209 = arith.constant dense<0.000000e+00> : vector<1225x128xf32>
    %dot_general3A_210 = tpu.matmul %get3A_205, %get3A_208, %dot_general3A_209 {dimension_numbers = #tpu.dot_dimension_numbers<[1], [0], [0], [1], [0, 0, 1, 1], [], []>, transpose_lhs_hint = false} : vector<1225x128xf32>, vector<128x128xf32>, vector<1225x128xf32> -> vector<1225x128xf32>
    %add3A_211 = arith.addf %dot_general3A_210, %add3A_14 : vector<1225x128xf32>
    %swap3A_212 = arith.constant 11 : index
    %swap3A_213 = arith.constant 0 : index
    %swap3A_214 = arith.constant 0 : index
    %swap3A_215 = vector.load %arg6[%swap3A_212, %swap3A_213, %swap3A_214] : memref<16x1225x128xf32, #tpu.memory_space<vmem>>, vector<1x1225x128xf32>
    %swap3A_216 = vector.shape_cast %swap3A_215 : vector<1x1225x128xf32> to vector<1225x128xf32>
    %swap3A_217 = vector.shape_cast %add3A_211 : vector<1225x128xf32> to vector<1x1225x128xf32>
    tpu.vector_store %arg6[%swap3A_212, %swap3A_213, %swap3A_214], %swap3A_217 {strides = array<i32>} : memref<16x1225x128xf32, #tpu.memory_space<vmem>>, vector<1x1225x128xf32>,
    %get3A_218 = arith.constant 0 : index
    %get3A_219 = arith.constant 12 : index
    %get3A_220 = arith.constant 0 : index
    %get3A_221 = vector.load %arg1[%get3A_218, %get3A_219, %get3A_220] : memref<1225x16x128xf32, #tpu.memory_space<vmem>>, vector<1225x1x128xf32>
    %get3A_222 = vector.shape_cast %get3A_221 : vector<1225x1x128xf32> to vector<1225x128xf32>
    %get3A_223 = arith.constant 0 : index
    %get3A_224 = arith.constant 0 : index
    %get3A_225 = vector.load %arg2[%get3A_223, %get3A_224] : memref<128x128xf32, #tpu.memory_space<vmem>>, vector<128x128xf32>
    %dot_general3A_226 = arith.constant dense<0.000000e+00> : vector<1225x128xf32>
    %dot_general3A_227 = tpu.matmul %get3A_222, %get3A_225, %dot_general3A_226 {dimension_numbers = #tpu.dot_dimension_numbers<[1], [0], [0], [1], [0, 0, 1, 1], [], []>, transpose_lhs_hint = false} : vector<1225x128xf32>, vector<128x128xf32>, vector<1225x128xf32> -> vector<1225x128xf32>
    %add3A_228 = arith.addf %dot_general3A_227, %add3A_14 : vector<1225x128xf32>
    %swap3A_229 = arith.constant 12 : index
    %swap3A_230 = arith.constant 0 : index
    %swap3A_231 = arith.constant 0 : index
    %swap3A_232 = vector.load %arg6[%swap3A_229, %swap3A_230, %swap3A_231] : memref<16x1225x128xf32, #tpu.memory_space<vmem>>, vector<1x1225x128xf32>
    %swap3A_233 = vector.shape_cast %swap3A_232 : vector<1x1225x128xf32> to vector<1225x128xf32>
    %swap3A_234 = vector.shape_cast %add3A_228 : vector<1225x128xf32> to vector<1x1225x128xf32>
    tpu.vector_store %arg6[%swap3A_229, %swap3A_230, %swap3A_231], %swap3A_234 {strides = array<i32>} : memref<16x1225x128xf32, #tpu.memory_space<vmem>>, vector<1x1225x128xf32>,
    %get3A_235 = arith.constant 0 : index
    %get3A_236 = arith.constant 13 : index
    %get3A_237 = arith.constant 0 : index
    %get3A_238 = vector.load %arg1[%get3A_235, %get3A_236, %get3A_237] : memref<1225x16x128xf32, #tpu.memory_space<vmem>>, vector<1225x1x128xf32>
    %get3A_239 = vector.shape_cast %get3A_238 : vector<1225x1x128xf32> to vector<1225x128xf32>
    %get3A_240 = arith.constant 0 : index
    %get3A_241 = arith.constant 0 : index
    %get3A_242 = vector.load %arg2[%get3A_240, %get3A_241] : memref<128x128xf32, #tpu.memory_space<vmem>>, vector<128x128xf32>
    %dot_general3A_243 = arith.constant dense<0.000000e+00> : vector<1225x128xf32>
    %dot_general3A_244 = tpu.matmul %get3A_239, %get3A_242, %dot_general3A_243 {dimension_numbers = #tpu.dot_dimension_numbers<[1], [0], [0], [1], [0, 0, 1, 1], [], []>, transpose_lhs_hint = false} : vector<1225x128xf32>, vector<128x128xf32>, vector<1225x128xf32> -> vector<1225x128xf32>
    %add3A_245 = arith.addf %dot_general3A_244, %add3A_14 : vector<1225x128xf32>
    %swap3A_246 = arith.constant 13 : index
    %swap3A_247 = arith.constant 0 : index
    %swap3A_248 = arith.constant 0 : index
    %swap3A_249 = vector.load %arg6[%swap3A_246, %swap3A_247, %swap3A_248] : memref<16x1225x128xf32, #tpu.memory_space<vmem>>, vector<1x1225x128xf32>
    %swap3A_250 = vector.shape_cast %swap3A_249 : vector<1x1225x128xf32> to vector<1225x128xf32>
    %swap3A_251 = vector.shape_cast %add3A_245 : vector<1225x128xf32> to vector<1x1225x128xf32>
    tpu.vector_store %arg6[%swap3A_246, %swap3A_247, %swap3A_248], %swap3A_251 {strides = array<i32>} : memref<16x1225x128xf32, #tpu.memory_space<vmem>>, vector<1x1225x128xf32>,
    %get3A_252 = arith.constant 0 : index
    %get3A_253 = arith.constant 14 : index
    %get3A_254 = arith.constant 0 : index
    %get3A_255 = vector.load %arg1[%get3A_252, %get3A_253, %get3A_254] : memref<1225x16x128xf32, #tpu.memory_space<vmem>>, vector<1225x1x128xf32>
    %get3A_256 = vector.shape_cast %get3A_255 : vector<1225x1x128xf32> to vector<1225x128xf32>
    %get3A_257 = arith.constant 0 : index
    %get3A_258 = arith.constant 0 : index
    %get3A_259 = vector.load %arg2[%get3A_257, %get3A_258] : memref<128x128xf32, #tpu.memory_space<vmem>>, vector<128x128xf32>
    %dot_general3A_260 = arith.constant dense<0.000000e+00> : vector<1225x128xf32>
    %dot_general3A_261 = tpu.matmul %get3A_256, %get3A_259, %dot_general3A_260 {dimension_numbers = #tpu.dot_dimension_numbers<[1], [0], [0], [1], [0, 0, 1, 1], [], []>, transpose_lhs_hint = false} : vector<1225x128xf32>, vector<128x128xf32>, vector<1225x128xf32> -> vector<1225x128xf32>
    %add3A_262 = arith.addf %dot_general3A_261, %add3A_14 : vector<1225x128xf32>
    %swap3A_263 = arith.constant 14 : index
    %swap3A_264 = arith.constant 0 : index
    %swap3A_265 = arith.constant 0 : index
    %swap3A_266 = vector.load %arg6[%swap3A_263, %swap3A_264, %swap3A_265] : memref<16x1225x128xf32, #tpu.memory_space<vmem>>, vector<1x1225x128xf32>
    %swap3A_267 = vector.shape_cast %swap3A_266 : vector<1x1225x128xf32> to vector<1225x128xf32>
    %swap3A_268 = vector.shape_cast %add3A_262 : vector<1225x128xf32> to vector<1x1225x128xf32>
    tpu.vector_store %arg6[%swap3A_263, %swap3A_264, %swap3A_265], %swap3A_268 {strides = array<i32>} : memref<16x1225x128xf32, #tpu.memory_space<vmem>>, vector<1x1225x128xf32>,
    %get3A_269 = arith.constant 0 : index
    %get3A_270 = arith.constant 15 : index
    %get3A_271 = arith.constant 0 : index
    %get3A_272 = vector.load %arg1[%get3A_269, %get3A_270, %get3A_271] : memref<1225x16x128xf32, #tpu.memory_space<vmem>>, vector<1225x1x128xf32>
    %get3A_273 = vector.shape_cast %get3A_272 : vector<1225x1x128xf32> to vector<1225x128xf32>
    %get3A_274 = arith.constant 0 : index
    %get3A_275 = arith.constant 0 : index
    %get3A_276 = vector.load %arg2[%get3A_274, %get3A_275] : memref<128x128xf32, #tpu.memory_space<vmem>>, vector<128x128xf32>
    %dot_general3A_277 = arith.constant dense<0.000000e+00> : vector<1225x128xf32>
    %dot_general3A_278 = tpu.matmul %get3A_273, %get3A_276, %dot_general3A_277 {dimension_numbers = #tpu.dot_dimension_numbers<[1], [0], [0], [1], [0, 0, 1, 1], [], []>, transpose_lhs_hint = false} : vector<1225x128xf32>, vector<128x128xf32>, vector<1225x128xf32> -> vector<1225x128xf32>
    %add3A_279 = arith.addf %dot_general3A_278, %add3A_14 : vector<1225x128xf32>
    %swap3A_280 = arith.constant 15 : index
    %swap3A_281 = arith.constant 0 : index
    %swap3A_282 = arith.constant 0 : index
    %swap3A_283 = vector.load %arg6[%swap3A_280, %swap3A_281, %swap3A_282] : memref<16x1225x128xf32, #tpu.memory_space<vmem>>, vector<1x1225x128xf32>
    %swap3A_284 = vector.shape_cast %swap3A_283 : vector<1x1225x128xf32> to vector<1225x128xf32>
    %swap3A_285 = vector.shape_cast %add3A_279 : vector<1225x128xf32> to vector<1x1225x128xf32>
    tpu.vector_store %arg6[%swap3A_280, %swap3A_281, %swap3A_282], %swap3A_285 {strides = array<i32>} : memref<16x1225x128xf32, #tpu.memory_space<vmem>>, vector<1x1225x128xf32>,
    return
  }
  func.func @transform_0(%arg0: i32) -> (i32, i32, i32) {
    %c0_i32 = arith.constant 0 : i32
    %c0_i32_0 = arith.constant 0 : i32
    %c0_i32_1 = arith.constant 0 : i32
    %c0_i32_2 = arith.constant 0 : i32
    return %c0_i32, %c0_i32_0, %c0_i32_1 : i32, i32, i32
  }
  func.func @transform_1(%arg0: i32) -> (i32, i32) {
    %c0_i32 = arith.constant 0 : i32
    %c0_i32_0 = arith.constant 0 : i32
    return %c0_i32, %arg0 : i32, i32
  }
  func.func @transform_2(%arg0: i32) -> (i32, i32) {
    %c0_i32 = arith.constant 0 : i32
    %c0_i32_0 = arith.constant 0 : i32
    %c0_i32_1 = arith.constant 0 : i32
    return %c0_i32, %c0_i32_0 : i32, i32
  }
  func.func @transform_3(%arg0: i32) -> (i32, i32) {
    %c0_i32 = arith.constant 0 : i32
    %c0_i32_0 = arith.constant 0 : i32
    return %c0_i32, %arg0 : i32, i32
  }
  func.func @transform_4(%arg0: i32) -> (i32, i32) {
    %c0_i32 = arith.constant 0 : i32
    %c0_i32_0 = arith.constant 0 : i32
    %c0_i32_1 = arith.constant 0 : i32
    return %c0_i32, %c0_i32_0 : i32, i32
  }
  func.func @transform_5(%arg0: i32) -> (i32, i32, i32) {
    %c0_i32 = arith.constant 0 : i32
    %c0_i32_0 = arith.constant 0 : i32
    %c0_i32_1 = arith.constant 0 : i32
    return %c0_i32, %c0_i32_0, %arg0 : i32, i32, i32
  }
}

</mosaic_0001>

<sc_bundles>
// kernel: sparse-core-data-format-call.cloned.1.call-start
scs
called_computation_lowered:
.L_overlay_start_0:
0x0: {  	s2 =	sld [smem:$0x3FD9]  }
0x1: {  	s3 =	sld [smem:$0x3FFE];
	_ =	sdelay $0x1  }
0x2: {  	s1 =	srdreg.scid  }
0x3: {  	s0 =	sand.u32 $0x1, s1  }
0x4: {  	s18 =	sshll.u32 s0, $0xA;
	s2 =	sadd.s32 s3, s2  }
0x5: {  	s2 =	sadd.s32 s2, s18  }
0x6: {  	[smem:$0x3FC3] =	sst s2  }
0x7: {  	_ = 	snop  }
0x8: {  	s2 =	sld [smem:$0x3FD0];
	(tm) =	ssettm $0x1  }
0x9: {  	s19 =	sld [smem:$0x3FFB];
	_ =	sdelay $0x3  }
0xa: {  	_ =	strace s19  }
0xb: {  	s3 =	sld [smem:$0x3FFC];
	_ =	sdelay $0x3  }
0xc: {  	_ =	strace s3  }
0xd: {  	s3 =	sld [smem:$0x3FFD];
	_ =	sdelay $0x3  }
0xe: {  	_ =	strace s3  }
0xf: {  	_ =	strace $0x8FFFFFFF  }
0x10: {  	s20 =	sld [smem:$0x3FDB];
	_ =	sdelay $0x1  }
0x11: {  	s4 =	simm.s32 $_scs_section_size  }
0x12: {  	s5 =	simm.s32 $_size__tile_overlayer_lowered;
	s6 =	simm.s32 $_tile_overlayer_lowered  }
0x13: {  	s23 =	simm.s32 $0x1BFF;
	s22 =	sshll.u32 s6, $0x1;
	s3 =	sadd.s32 s4, s20  }
0x14: {  	s7 =	simm.s32 $0x0;
	s21 =	sshll.u32 s5, $0x1;
	s5 =	sadd.s32 s22, s3  }
0x15: {  	[timem:s7], [sflag:s23] =	dma.local [hbm:s5], s21  }
0x16: {  	_ =	swait.ge [sflag:s23], s21  }
0x17: {  	s4 =	ssub.s32 $0x0, s21;
	[sflag:s23] =	ssyncset.done $0x0  }
0x18: {  	[sflag:s23] =	ssyncadd.s32 s4;
	_ =	sdelay $0x1  }
0x19: {  	s24 =	simm.s32 $0x1B8B  }
0x1a: {  	_ =	swait.ge [sflag:s24], $0x1  }
0x1b: {  	[sflag:s24] =	ssyncset.done $0x0  }
0x1c: {  	s26 =	simm.s32 $0x1B8E;
	s25 =	sld [smem:$0x3FFE];
	[sflag:s24] =	ssyncadd.s32 $0xFFFFFFFF  }
0x1d: {  	s27 =	simm.s32 $execute0_lowered;
	[smem:$0x3FD2] =	sst s26  }
0x1e: {  	s5 =	sshll.u32 s27, $0x1;
	_ =	strace $0x80000046;
	[dreg:$0x1] =	wrdreg $0xFFFFFFFF  }
0x1f: {  	s28 =	simm.s32 $_size_execute0_lowered;
	s3 =	sadd.s32 s3, s5;
	[dreg:$0x0] =	wrdreg $0x0  }
0x20: {  	s5 =	sshll.u32 s28, $0x1;
	[dreg:$0x2] =	wrdreg s3  }
0x21: {  	[dreg:$0x3] =	wrdreg s5  }
0x22: {  	[dreg:$0x4] =	wrdreg $0xC0  }
0x23: {  	_ =	task [dreg:s7], $0x5FFFF  }
0x24: {  	[dreg:$0x1] =	wrdreg $0xFFFFFFFF  }
0x25: {  	[dreg:$0x0] =	wrdreg $0x60  }
0x26: {  	[dreg:$0x2] =	wrdreg s25  }
0x27: {  	[dreg:$0x3] =	wrdreg s2  }
0x28: {  	[dreg:$0x4] =	wrdreg $0x9  }
0x29: {  	_ =	task.clear_ibuf [dreg:s7], $0x5FFFF;
	_ =	strace $0x90000046  }
0x2a: {  	s29 =	simm.s32 $0x9;
	_ =	strace $0x80000048  }
0x2b: {  	_ =	swait.ge [sflag:s29], $0x1  }
0x2c: {  	[sflag:s29] =	ssyncadd.s32 $0xFFFFFFFF  }
0x2d: {  	_ =	strace $0x90000048  }
0x2e: {  	_ =	sfence  }
0x2f: {  	s30 =	sld [smem:$0x0];
	_ =	sdelay $0x2  }
0x30: {  	s31 =	sshll.u32 s1, $0xD;
	s1 =	sshrl.u32 s1, $0x2  }
0x31: {  	s3 =	sand.u32 $0x4000, s31;
	s1 =	sadd.s32 s1, s30  }
0x32: {  	s0 =	sor.u32 s3, s0;
	s1 =	sshll.u32 s1, $0x11  }
0x33: {  	s0 =	sor.u32 s1, s0  }
0x34: {  	s0 =	sadd.s32 $0x8F2B, s0  }
0x35: {  	[sflag:s0] =	ssyncadd.remote.s32 $0x1  }
0x36: {  	_ =	sfence.sel $0xFFFF  }
0x37: {  	[dreg:$0x0] =	wrdreg $0xFFFFFFFF;
	(pc) =	sbr.abs _section_cstart, $3  }
0x38: {  	[dreg:$0x1] =	wrdreg $0xFFFFFFFF  }
0x39: {  	_ =	task.clear_ibuf [dreg:s7], $0x2FFFF;
	_ =	strace $0x9FFFFFFF  }
0x3a: {  	(tm) =	ssettm $0x7FFFFFFF  }
0x3b: {  	_ =	shalt  }
tec
execute0_lowered:
.L_overlay_start_1:
0x0: {  	(tag) =	ssettag $0x1  }
0x1: {  	s0 =	stileid.u32  }
0x2: {  	s1 =	srdreg.scid;
	s8 =	rddreg [dreg:$0x0]  }
0x3: {  	s6 =	simm.s32 $0x1;
	s7 =	simm.s32 $0x1;
	s9 =	simm.s32 $0x2  }
0x4: {  	s2 =	sshll.u32 s0, $0x1;
	s3 =	sshll.u32 s0, $0x4;
	s4 =	sshll.u32 s1, $0x8  }
0x5: {  	s20 =	simm.s32 $0x0;
	s1 =	sand.u32 $0xE, s2;
	s28 =	sor.u32 s3, s4  }
0x6: {  	s10 =	simm.s32 $0x2000;
	s2 =	sand.u32 $0x180, s28;
	s29 =	ssub.s32 $0x10, s1  }
0x7: {  	s18 =	simm.s32 $0x0;
	s30 =	sand.u32 $0xE, s29;
	s5 =	ssub.s32 $0x200, s2  }
0x8: {  	s19 =	simm.s32 $0x0;
	p0 =	sne.s32 s30, $0x0;
	s31 =	sand.u32 $0x180, s5  }
0x9: {  	s11 =	simm.s32 $0x0;
	s6 =	simm.s32 @!p0 $0x0;
	p0 =	sne.s32 s31, $0x0  }
0xa: {  	s3 =	sshrl.u32 s29, $0x4;
	s5 =	sshrl.u32 s5, $0x9;
	s7 =	simm.s32 @!p0 $0x0  }
0xb: {  	s12 =	simm.s32 $0x0;
	s6 =	sadd.s32 s6, s3;
	s5 =	sadd.s32 s7, s5  }
0xc: {  	s13 =	simm.s32 $0x0;
	s14 =	simm.s32 $0x0;
	s6 =	smul.u32 s5, s6  }
.Ltmp0:
0xd: {  	s17 =	simm.s32 $0x0;
	s4 =	rddreg [dreg:$0x1];
	(pc) =	sbr.rel .LBB1_1-.Ltmp0, $4  }
0xe: {  	s16 =	smov.u32 s1;
	s15 =	smov.u32 s2;
	s3 =	rddreg [dreg:$0x2]  }
0xf: {  	_ =	strace $0x80000047;
	s5 =	simm.s32 $0x1;
	s6 =	smul.u32 $0x23, s6  }
0x10: {  	p0 =	por $0x0, $0x0;
	s7 =	sadd.s32 $0x135000, s8;
	[sflag:s5] =	ssyncpa.u1 $0x0  }
0x11: {  	s8 =	sadd.s32 $0x185000, s8;
	[sflag:s9] =	ssyncpa.u1 $0x0;
	s9 =	sadd.s32 $0x1, s6  }
.LBB1_7:
0x12: {  	p1 =	slt.u32 s17, $0x2  }
0x13: {  	s21 =	smov.u32 s20;
	p2 =	sgt.s32 @!p1 s20, $0x22;
	s22 =	sshra.s32 @!p1 s20, $0x1F  }
0x14: {  	s23 =	sshra.s32 @!p1 s18, $0x1F;
	p2 =	por !p2, p1;
	s20 =	sand.u32 @!p1 s22, s20  }
0x15: {  	s22 =	sshra.s32 @!p1 s19, $0x1F;
	s21 =	simm.s32 @p2 $0x22;
	p2 =	sgt.s32 @!p1 s19, $0xE  }
0x16: {  	s20 =	ssub.s32 @!p1 s21, s20;
	p2 =	por !p2, p1;
	s21 =	smov.u32 s19  }
0x17: {  	s19 =	sand.u32 @!p1 s22, s19;
	s21 =	simm.s32 @p2 $0xE;
	p2 =	sgt.s32 @!p1 s18, $0x180  }
0x18: {  	s22 =	smov.u32 s18;
	s18 =	sand.u32 @!p1 s23, s18;
	p2 =	por !p2, p1  }
0x19: {  	s19 =	ssub.s32 @!p1 s21, s19;
	s21 =	sadd.s32 @!p1 $0xFFFFFFDE, s20;
	s22 =	simm.s32 @p2 $0x180  }
0x1a: {  	s20 =	ssub.s32 @!p1 $0x23, s20;
	s18 =	ssub.s32 @!p1 s22, s18;
	s22 =	sadd.s32 @!p1 $0xFFFFFFF2, s19  }
0x1b: {  	s20 =	smul.u32 @!p1 $0x23, s20;
	p2 =	sgt.s32 @!p1 s22, $0x1;
	s22 =	sadd.s32 @!p1 $0xFFFFFE80, s18  }
0x1c: {  	s19 =	ssub.s32 @!p1 $0x10, s19;
	p2 =	por !p2, p1;
	p3 =	sgt.s32 @!p1 s22, $0x7F  }
0x1d: {  	s18 =	ssub.s32 @!p1 $0x200, s18;
	s19 =	simm.s32 @!p2 $0x0;
	p2 =	por !p3, p1  }
0x1e: {  	s22 =	smov.u32 s15;
	p3 =	sgt.s32 @!p1 s21, $0x0;
	s18 =	simm.s32 @!p2 $0x0  }
0x1f: {  	s21 =	sadd.s32 $0x1, s14;
	p2 =	por !p3, p1;
	s18 =	smul.u32 @!p1 s19, s18  }
0x20: {  	s20 =	simm.s32 @!p2 $0x0;
	p2 =	sgt.s32 s21, $0x22;
	s19 =	sadd.s32 $0x200, s15  }
0x21: {  	p0 =	por !p0, !p0;
	s22 =	smov.u32 @p2 s19  }
0x22: {  	s23 =	smov.u32 s16;
	s19 =	sadd.s32 $0x10, s16;
	p3 =	sgt.s32 s22, $0x1FF  }
0x23: {  	s24 =	simm.s32 @!p1 $0x2;
	s21 =	simm.s32 @p2 $0x0;
	s23 =	smov.u32 @p3 s19  }
0x24: {  	s18 =	smul.u32 @!p1 s20, s18;
	s20 =	smov.u32 s11;
	p2 =	sgt.s32 s23, $0xF  }
0x25: {  	s11 =	smov.u32 s14;
	s23 =	smov.u32 @p2 s1;
	p2 =	sne.s32 s17, s9  }
.Ltmp1:
0x26: {  	s14 =	smov.u32 s21;
	s22 =	smov.u32 @p3 s2;
	(pc) =	sbr.rel @!p2 .LBB1_8-.Ltmp1, $4  }
0x27: {  	s19 =	smov.u32 s13;
	s13 =	smov.u32 s16;
	s18 =	sand.u32 @!p1 $0x3FFFFFFF, s18  }
0x28: {  	_ =	swait.ge @!p1 [sflag:s24], s18;
	s25 =	ssub.s32 @!p1 $0x0, s18;
	s18 =	smov.u32 s12  }
0x29: {  	s17 =	sadd.s32 $0x1, s17;
	s12 =	smov.u32 s15;
	[sflag:s24] =	ssyncset.done @!p1 $0x0  }
0x2a: {  	s15 =	smov.u32 s22;
	s16 =	smov.u32 s23;
	[sflag:s24] =	ssyncadd.s32 @!p1 s25  }
.LBB1_1:
0x2b: {  	p1 =	sge.u32 s17, s6  }
0x2c: {  	s21 =	sand.u32 @!p1 $0x1FFFFFF, s14  }
0x2d: {  	s22 =	smulhi.u32 @!p1 $0x6666667, s21  }
0x2e: {  	s23 =	smul.u32 @!p1 $0x50000, s16  }
0x2f: {  	s22 =	smul.u32 @!p1 $0x28, s22  }
0x30: {  	s24 =	sxor.u32 @!p1 $0xFFFFFFFF, s17;
	s25 =	smul.u32 @!p1 $0x280, s15  }
0x31: {  	s26 =	simm.s32 @!p1 $0x40;
	s21 =	ssub.s32 @!p1 s21, s22;
	s22 =	sadd.s32 @!p1 s7, s23  }
0x32: {  	s24 =	sshll.u32 @!p1 s24, $0xE;
	s21 =	sshll.u32 @!p1 s21, $0x4;
	s22 =	sadd.s32 @!p1 s25, s22  }
0x33: {  	s27 =	simm.s32 @!p1 $0x1400;
	s24 =	sand.u32 @!p1 $0x4000, s24;
	s22 =	sadd.s32 @!p1 s21, s22  }
0x34: {  	[tilespmem:s24], [sflag:$0x1] =	stream.strided.gather @!p1 [hbm4b:s22+s26], $0x2000, s27, s26, $0x38;
	[tilespmem:$0x10100] =	vst v63  }
0x35: {  	s22 =	sadd.s32 @!p1 s23, s8  }
0x36: {  	s22 =	sadd.s32 @!p1 s25, s22  }
0x37: {  	s31 =	sadd.s32 $0xFFFFFFFF, s17;
	s21 =	sadd.s32 @!p1 s21, s22;
	s22 =	sor.u32 @!p1 $0x2000, s24  }
0x38: {  	[tilespmem:s22], [sflag:$0x1] =	stream.strided.gather @!p1 [hbm4b:s21+s26], $0x2000, s27, s26, $0x38;
	[tilespmem:$0x10100] =	vst v63  }
0x39: {  	p1 =	sge.u32 s31, s6  }
.Ltmp2:
0x3a: {  	_ = 	snop;
	(pc) =	sbr.rel @p1 .LBB1_7-.Ltmp2, $1  }
0x3b: {  	_ =	sdelay $0x3  }
0x3c: {  	s21 =	simm.s32 $0x1;
	s23 =	sand.u32 $0x1, s17  }
0x3d: {  	_ =	swait.ge [sflag:s5], $0x4000;
	s21 =	simm.s32 @!p0 $0x0;
	s23 =	smul.u32 $0x10200, s23  }
0x3e: {  	p2 =	por $0x1, $0x1;
	[sflag:s5] =	ssyncset.done $0x0;
	s22 =	smul.u32 $0x10200, s21  }
0x3f: {  	s24 =	sshll.u32 s21, $0x10;
	[sflag:s5] =	ssyncadd.s32 $0xFFFFC000;
	s30 =	sshrl.u32 s23, $0x2  }
0x40: {  	s31 =	sshrl.u32 s24, $0x2;
	s24 =	simm.s32 $0x0;
	s22 =	sshrl.u32 s22, $0x2  }
0x41: {  	s21 =	sor.u32 $0x8000, s30;
	s23 =	sadd.s32 $0x20, s31;
	s22 =	sor.u32 $0x8000, s22  }
.LBB1_3:
0x42: {  	s25 =	sshll.u32 s24, $0xD  }
0x43: {  	s25 =	sand.u32 $0x3FFFE000, s25  }
0x44: {  	s27 =	sadd.s32 s25, s23  }
0x45: {  	s31 =	smul.u32 $0x204, s24;
	v3 =	vld [tilespmem:s27+$0x10]  }
0x46: {  	v1 =	vld [tilespmem:s27+$0xFFFFFFF0]  }
0x47: {  	s24 =	sshra.s32 s31, $0x2;
	v0 =	vld [tilespmem:s27+$0x0]  }
0x48: {  	s24 =	sadd.s32 s24, s22;
	v2 =	vld [tilespmem:s27+$0xFFFFFFE0]  }
0x49: {  	s25 =	sadd.s32 $0x0, s24  }
0x4a: {  	p1 =	por p2, p2;
	s26 =	simm.s32 $0x4;
	s27 =	sadd.s32 $0x40, s27;
	[tilespmem:s25+$0x3060 ss:$0x102] =	vst.msk $0xffff, v3  }
.LBB1_4:
0x4b: {  	v3 =	vld [tilespmem:s27+$0x10];
	p2 =	sne.s32 s26, $0x1FC;
	[tilespmem:s25+$0x1020 ss:$0x102] =	vst.msk $0xffff, v1;
	s28 =	smov.u32 s26;
	s26 =	sadd.s32 $0x4, s26  }
.Ltmp3:
0x4c: {  	v1 =	vld [tilespmem:s27+$0xFFFFFFF0];
	[tilespmem:s25+$0x2040 ss:$0x102] =	vst.msk $0xffff, v0;
	(pc) =	sbr.rel @p2 .LBB1_4-.Ltmp3, $4  }
0x4d: {  	v0 =	vld [tilespmem:s27+$0x0];
	[tilespmem:s25+$0x0 ss:$0x102] =	vst.msk $0xffff, v2  }
0x4e: {  	s25 =	sshra.s32 s28, $0x2;
	v2 =	vld [tilespmem:s27+$0xFFFFFFE0]  }
0x4f: {  	s25 =	sadd.s32 s25, s24  }
0x50: {  	s27 =	sadd.s32 $0x40, s27;
	[tilespmem:s25+$0x3060 ss:$0x102] =	vst.msk $0xffff, v3  }
.Ltmp4:
0x51: {  	(pc) =	sbr.rel @p1 .LBB1_3-.Ltmp4, $4  }
0x52: {  	_ = 	snop  }
0x53: {  	[tilespmem:s25+$0x1020 ss:$0x102] =	vst.msk $0xffff, v1  }
0x54: {  	[tilespmem:s25+$0x2040 ss:$0x102] =	vst.msk $0xffff, v0  }
0x55: {  	s24 =	simm.s32 $0x1;
	p2 =	por $0x0, $0x0;
	[tilespmem:s25+$0x0 ss:$0x102] =	vst.msk $0xffff, v2  }
0x56: {  	s22 =	sshll.u32 s13, $0x9;
	s23 =	sshll.u32 s12, $0x3  }
0x57: {  	s24 =	sshll.u32 s13, $0x7;
	p1 =	sgt.s32 s13, $0xE;
	s25 =	sshra.s32 s13, $0x1F  }
0x58: {  	p2 =	sgt.s32 s11, $0x22;
	s26 =	sshra.s32 s12, $0x1F;
	s28 =	sshra.s32 s11, $0x1F  }
0x59: {  	s31 =	sand.u32 $0x78, s12;
	s22 =	sand.u32 $0x1000, s22;
	s23 =	sand.u32 $0x1C00, s23  }
0x5a: {  	s27 =	sand.u32 $0x200, s24;
	s25 =	sand.u32 s25, s13;
	s26 =	sand.u32 s26, s12  }
0x5b: {  	s24 =	sand.u32 $0x180, s24;
	s22 =	sadd.s32 s22, s23;
	s23 =	smov.u32 s13  }
0x5c: {  	s24 =	sor.u32 s31, s24;
	s22 =	sor.u32 s27, s22;
	s23 =	simm.s32 @!p1 $0xE  }
0x5d: {  	p1 =	sgt.s32 s12, $0x180;
	s23 =	ssub.s32 s23, s25;
	s25 =	smov.u32 s12  }
0x5e: {  	s27 =	sadd.s32 $0xFFFFFFF2, s23;
	s25 =	simm.s32 @!p1 $0x180;
	s23 =	ssub.s32 $0x10, s23  }
0x5f: {  	p1 =	sgt.s32 s27, $0x1;
	s27 =	smov.u32 s11;
	s25 =	ssub.s32 s25, s26  }
0x60: {  	s26 =	sand.u32 s28, s11;
	s28 =	smul.u32 $0x8C00, s11;
	s27 =	simm.s32 @!p2 $0x22  }
0x61: {  	s23 =	simm.s32 @p1 $0x0;
	s29 =	sadd.s32 $0xFFFFFE80, s25;
	s26 =	ssub.s32 s27, s26  }
0x62: {  	s25 =	ssub.s32 $0x200, s25;
	p1 =	sgt.s32 s29, $0x7F;
	s30 =	ssub.s32 $0x23, s26  }
0x63: {  	s26 =	sadd.s32 $0xFFFFFFDE, s26;
	s25 =	simm.s32 @p1 $0x0;
	s27 =	smul.u32 $0x23, s30  }
0x64: {  	s24 =	sshrl.u32 s24, $0x3;
	p1 =	sgt.s32 s26, $0x0;
	s23 =	smul.u32 s23, s25  }
.Ltmp5:
0x65: {  	s22 =	sshrl.u32 s22, $0x3;
	s27 =	simm.s32 @p1 $0x0;
	(pc) =	sbr.rel .LBB1_7-.Ltmp5, $4  }
0x66: {  	s29 =	sand.u32 $0x7, s12;
	s25 =	sadd.s32 s4, s28;
	s23 =	smul.u32 s27, s23  }
0x67: {  	s22 =	sand.u32 $0x3C0, s22;
	s30 =	sshll.u32 s29, $0x12;
	s24 =	sadd.s32 s24, s25  }
0x68: {  	s31 =	sor.u32 $0x100, s30;
	s22 =	sadd.s32 s22, s24;
	s23 =	sand.u32 $0x3FFFFFFF, s23  }
0x69: {  	[hbm4b:s22+s31] =	stream.strided.scatter [tilespmem:s21], [sflag:$0x2], s23, s10, s31, $0x20;
	[tilespmem:$0x10100] =	vst v63  }
.LBB1_8:
0x6a: {  	_ =	sfence.sel $0x180000  }
0x6b: {  	s1 =	simm.s32 $0x1;
	[bflag:$0x0] =	sbarrier.arrive $0xFFFF  }
0x6c: {  	s31 =	simm.s32 $0x2;
	[sflag:s1] =	ssyncpa.u1 $0x1  }
0x6d: {  	[sflag:s31] =	ssyncpa.u1 $0x1  }
0x6e: {  	p0 =	sne.s32 s0, $0x0;
	_ =	strace $0x90000047  }
0x6f: {  	s0 =	sadd.s32 @!p0 $0x100000, s3;
	[bflag:$0x2] =	sbarrier.arrive $0xFFFF  }
0x70: {  	[sflag:s0] =	ssyncadd.tile.s32 @!p0 $0x1;
	_ =	shalt  }
.Lfunc_end1:
_tile_overlayer_lowered:
.L_overlay_start_2:
0x71: {  	(tag) =	ssettag $0x2  }
0x72: {  	s0 =	rddreg [dreg:$0x0];
	s2 =	stileid.u32  }
0x73: {  	s1 =	rddreg [dreg:$0x1];
	p0 =	sne.s32 s2, $0x0  }
0x74: {  	s3 =	rddreg [dreg:$0x2];
	[bflag:$0x3] =	sbarrier.arrive $0xFFFF;
	s2 =	simm.s32 @!p0 $0x1C01  }
0x75: {  	[timem:s3], [sflag:s2] =	dma.local @!p0 [hbm:s0], s1  }
0x76: {  	s0 =	simm.s32 @!p0 $0x1  }
0x77: {  	_ =	swait.ge @!p0 [sflag:s0], s1  }
0x78: {  	s1 =	ssub.s32 @!p0 $0x0, s1;
	[sflag:s0] =	ssyncset.done @!p0 $0x0  }
0x79: {  	[sflag:s0] =	ssyncadd.s32 @!p0 s1  }
0x7a: {  	[bflag:$0x3] =	sbarrier.arrive $0xFFFF  }
0x7b: {  	_ =	shalt  }

</sc_bundles>
